<compile_context>
chip_gen: v7x
topology: tpu7x:2x2x1
jax: 0.10.2.dev20260603
libtpu: 0.0.44.dev20260713+nightly
codegen_flags: <defaults>
</compile_context>

<pallas_src>
import functools

import jax
import jax.numpy as jnp
from jax import lax
from jax.experimental import pallas as pl
from jax.experimental.pallas import tpu as pltpu
from jax.experimental.pallas import tpu_sc as plsc

B = 8
N = 65536
C = 64
R = 32
V = R * R * R

NC = 2
NS = 16
L = 16
NW = NC * NS

K = 4096
NCHUNK = N // K
CPT = N // NW


def _prep_body(ct_ref, norm_ref, idx_ref):
    x = ct_ref[0]
    mean_pt = jnp.mean(x, axis=0, keepdims=True)
    cent = x - mean_pt
    ssq = jnp.sum(cent * cent, axis=1, keepdims=True)
    denom = jnp.max(jnp.sqrt(ssq)) * 2.0
    norm = cent / denom + 0.5
    scaled = jnp.clip(norm * float(R), 0.0, float(R - 1))
    norm_ref[0] = scaled
    vox = jnp.round(scaled).astype(jnp.int32)
    idx_ref[0] = vox[0:1] * (R * R) + vox[1:2] * R + vox[2:3]


def _prep(ct):
    return pl.pallas_call(
        _prep_body,
        grid=(B,),
        in_specs=[pl.BlockSpec((1, 3, N), lambda b: (b, 0, 0))],
        out_specs=[
            pl.BlockSpec((1, 3, N), lambda b: (b, 0, 0)),
            pl.BlockSpec((1, 1, N), lambda b: (b, 0, 0)),
        ],
        out_shape=[
            jax.ShapeDtypeStruct((B, 3, N), jnp.float32),
            jax.ShapeDtypeStruct((B, 1, N), jnp.int32),
        ],
    )(ct)


_TN = 2048


def _transpose_body(f_ref, o_ref):
    o_ref[0] = f_ref[0].T


def _transpose(features):
    return pl.pallas_call(
        _transpose_body,
        grid=(B, N // _TN),
        in_specs=[pl.BlockSpec((1, _TN, C), lambda b, n: (b, n, 0))],
        out_specs=pl.BlockSpec((1, C, _TN), lambda b, n: (b, 0, n)),
        out_shape=jax.ShapeDtypeStruct((B, C, N), jnp.float32),
    )(features)


def _sc_body(ft_hbm, idx_hbm, sums_hbm, cntp_hbm, g0, g1, gc, f0, f1, ib):
    wid = lax.axis_index("s") * NC + lax.axis_index("c")
    c0 = 2 * wid
    c1 = c0 + 1
    ones = jnp.full((L,), 1.0, dtype=jnp.float32)

    def batch_body(b, _):
        def zero_body(i, _):
            z = jnp.zeros((L,), dtype=jnp.float32)
            g0[pl.ds(i * L, L)] = z
            g1[pl.ds(i * L, L)] = z
            gc[pl.ds(i * L, L)] = z
            return 0

        lax.fori_loop(0, V // L, zero_body, 0)

        def chunk_body(j, _):
            pltpu.sync_copy(idx_hbm.at[b, pl.ds(j * K, K)], ib)
            pltpu.sync_copy(ft_hbm.at[b, c0, pl.ds(j * K, K)], f0)
            pltpu.sync_copy(ft_hbm.at[b, c1, pl.ds(j * K, K)], f1)

            def vec_body(i, _):
                vox = ib[pl.ds(i * L, L)]
                plsc.addupdate_scatter(g0, [vox], f0[pl.ds(i * L, L)])
                plsc.addupdate_scatter(g1, [vox], f1[pl.ds(i * L, L)])
                return 0

            lax.fori_loop(0, K // L, vec_body, 0)

            @pl.when(j == wid // (K // CPT))
            def _():
                off = (wid % (K // CPT)) * CPT

                def cnt_body(i, _):
                    vox = ib[pl.ds(off + i * L, L)]
                    plsc.addupdate_scatter(gc, [vox], ones)
                    return 0

                lax.fori_loop(0, CPT // L, cnt_body, 0)

            return 0

        lax.fori_loop(0, NCHUNK, chunk_body, 0)

        pltpu.sync_copy(g0, sums_hbm.at[b, c0])
        pltpu.sync_copy(g1, sums_hbm.at[b, c1])
        pltpu.sync_copy(gc, cntp_hbm.at[b, wid])
        return 0

    lax.fori_loop(0, B, batch_body, 0)


def _sc_scatter(ftT, idx):
    mesh = plsc.VectorSubcoreMesh(core_axis_name="c", subcore_axis_name="s")
    f = pl.kernel(
        _sc_body,
        compiler_params=pltpu.CompilerParams(needs_layout_passes=False),
        out_type=(
            jax.ShapeDtypeStruct((B, C, V), jnp.float32),
            jax.ShapeDtypeStruct((B, NW, V), jnp.float32),
        ),
        mesh=mesh,
        scratch_types=[
            pltpu.VMEM((V,), jnp.float32),
            pltpu.VMEM((V,), jnp.float32),
            pltpu.VMEM((V,), jnp.float32),
            pltpu.VMEM((K,), jnp.float32),
            pltpu.VMEM((K,), jnp.float32),
            pltpu.VMEM((K,), jnp.int32),
        ],
    )
    return f(ftT, idx)


_VB = 2048


def _finalize_body(s_ref, c_ref, o_ref):
    cnt = jnp.sum(c_ref[0], axis=0, keepdims=True)
    cnt = jnp.clip(cnt, 1.0, None)
    o_ref[0] = s_ref[0] / cnt


def _finalize(sums, cntp):
    return pl.pallas_call(
        _finalize_body,
        grid=(B, V // _VB),
        in_specs=[
            pl.BlockSpec((1, C, _VB), lambda b, v: (b, 0, v)),
            pl.BlockSpec((1, NW, _VB), lambda b, v: (b, 0, v)),
        ],
        out_specs=pl.BlockSpec((1, C, _VB), lambda b, v: (b, 0, v)),
        out_shape=jax.ShapeDtypeStruct((B, C, V), jnp.float32),
    )(sums, cntp)


def kernel(features, coords):
    ct = jnp.transpose(coords, (0, 2, 1))
    norm_t, idx3 = _prep(ct)
    norm_coords = jnp.transpose(norm_t, (0, 2, 1))
    idx = idx3.reshape(B, N)
    ftT = _transpose(features)
    sums, cntp = _sc_scatter(ftT, idx)
    vox = _finalize(sums, cntp)
    return vox.reshape(B, C, R, R, R), norm_coords

# --- scband reference (transcript-rebuilt; emitter-appended) ---
"""Pipeline reference for scband-voxelization-78700980732085 (READ-ONLY COPY).

The authoritative reference and input builder live on the scoring server;
editing this copy changes nothing except your own understanding.
"""

import jax, jax.numpy as jnp
import numpy as np

R = 32
NORMALIZE = True
EPS = 0.0


def setup_inputs(seed: int = 0) -> dict:
    key = jax.random.key(seed)
    k1, k2 = jax.random.split(key)
    features = jax.random.normal(k1, (8, 65536, 64), dtype=jnp.float32)
    coords = jax.random.uniform(k2, (8, 65536, 3), dtype=jnp.float32)
    return {"features": features, "coords": coords}


def _normalize_coords(coords):
    # coords: [B, N, 3]; coords is treated as detached (no grad) as in torch
    norm_coords = coords - jnp.mean(coords, axis=2, keepdims=True)
    if NORMALIZE:
        denom = jnp.max(
            jnp.sqrt(jnp.sum(norm_coords ** 2, axis=1, keepdims=True)),
            axis=2, keepdims=True,
        ) * 2.0 + EPS
        norm_coords = norm_coords / denom + 0.5
    else:
        norm_coords = (norm_coords + 1.0) / 2.0
    norm_coords = jnp.clip(norm_coords * R, 0.0, float(R - 1))
    return norm_coords


def reference(features, coords):
    # features: [B, N, C], coords: [B, N, 3]
    norm_coords = _normalize_coords(coords)
    vox_coords = jnp.round(norm_coords).astype(jnp.int32)
    vox_indices = (
        vox_coords[..., 0] * (R * R)
        + vox_coords[..., 1] * R
        + vox_coords[..., 2]
    )  # [B, N]
    B, N, C = features.shape
    b_idx = jnp.arange(B)[:, None]
    voxel_features = jnp.zeros((B, R ** 3, C), dtype=features.dtype)
    voxel_features = voxel_features.at[b_idx, vox_indices].add(features)
    voxel_counts = jnp.zeros((B, R ** 3), dtype=features.dtype)
    voxel_counts = voxel_counts.at[b_idx, vox_indices].add(1.0)
    voxel_counts = jnp.clip(voxel_counts, 1.0, None)[..., None]
    voxel_features = voxel_features / voxel_counts
    voxel_features = voxel_features.reshape(B, R, R, R, C).transpose(0, 4, 1, 2, 3)
    return voxel_features, norm_coords

if __name__ == "__main__":
    import jax
    _d = setup_inputs()
    print(jax.jit(kernel)(*tuple(_d.values())))

</pallas_src>

<mosaic_0001>
#map = affine_map<(d0, d1) -> (0, 0, 0)>
#map1 = affine_map<(d0, d1) -> (0, 0)>
module attributes {stable_mosaic.version = 14 : i64} {
  func.func @_sc_body(%arg0: i32, %arg1: i32, %arg2: memref<8x64x65536xf32, #tpu.memory_space<hbm>>, %arg3: memref<8x65536xi32, #tpu.memory_space<hbm>>, %arg4: memref<8x64x32768xf32, #tpu.memory_space<hbm>>, %arg5: memref<8x32x32768xf32, #tpu.memory_space<hbm>>, %arg6: memref<32768xf32, #tpu.memory_space<vmem>>, %arg7: memref<32768xf32, #tpu.memory_space<vmem>>, %arg8: memref<32768xf32, #tpu.memory_space<vmem>>, %arg9: memref<4096xf32, #tpu.memory_space<vmem>>, %arg10: memref<4096xf32, #tpu.memory_space<vmem>>, %arg11: memref<4096xi32, #tpu.memory_space<vmem>>) attributes {dimension_semantics = [#tpu.dimension_semantics<core_parallel>, #tpu.dimension_semantics<subcore_parallel>], iteration_bounds = array<i64: 2, 16>, scalar_prefetch = 0 : i64, scratch_operands = 6 : i64, tpu.core_type = #tpu.core_type<sc_vector_subcore>, window_params = [{transform_indices = #map}, {transform_indices = #map1}, {transform_indices = #map}, {transform_indices = #map}]} {
    %mul3A = arith.constant 2 : i32
    %mul3A_0 = arith.muli %arg1, %mul3A : i32
    %add3A = arith.addi %mul3A_0, %arg0 : i32
    %mul3A_1 = arith.constant 2 : i32
    %mul3A_2 = arith.muli %mul3A_1, %add3A : i32
    %add3A_3 = arith.constant 1 : i32
    %add3A_4 = arith.addi %mul3A_2, %add3A_3 : i32
    %broadcast_in_dim3A = arith.constant 1.000000e+00 : f32
    %broadcast_in_dim3A_5 = vector.broadcast %broadcast_in_dim3A : f32 to vector<16xf32>
    %scan3A = arith.constant 0 : i32
    %scan3A_6 = arith.constant 0 : i32
    %scan3A_7 = arith.constant 8 : i32
    %scan3A_8 = arith.addi %scan3A_6, %scan3A_7 : i32
    %scan3A_9 = arith.constant 1 : i32
    %scan3A_10 = scf.for %scan3A_12 = %scan3A_6 to %scan3A_8 step %scan3A_9 iter_args(%scan3A_13 = %scan3A) -> (i32)  : i32 {
      %scan3A_14 = arith.constant 0 : i32
      %scan3A_15 = arith.constant 0 : i32
      %scan3A_16 = arith.constant 2048 : i32
      %scan3A_17 = arith.addi %scan3A_15, %scan3A_16 : i32
      %scan3A_18 = arith.constant 1 : i32
      %scan3A_19 = scf.for %scan3A_29 = %scan3A_15 to %scan3A_17 step %scan3A_18 iter_args(%scan3A_30 = %scan3A_14) -> (i32)  : i32 {
        %broadcast_in_dim3A_31 = arith.constant 0.000000e+00 : f32
        %broadcast_in_dim3A_32 = vector.broadcast %broadcast_in_dim3A_31 : f32 to vector<16xf32>
        %mul3A_33 = arith.constant 16 : i32
        %mul3A_34 = arith.muli %scan3A_29, %mul3A_33 : i32
        %swap3A = arith.index_cast %mul3A_34 : i32 to index
        %swap3A_35 = tpu.vector_load %arg6[%swap3A] {strides = array<i32>} : memref<32768xf32, #tpu.memory_space<vmem>>, vector<16xf32>,
        tpu.vector_store %arg6[%swap3A], %broadcast_in_dim3A_32 {strides = array<i32>} : memref<32768xf32, #tpu.memory_space<vmem>>, vector<16xf32>,
        %mul3A_36 = arith.constant 16 : i32
        %mul3A_37 = arith.muli %scan3A_29, %mul3A_36 : i32
        %swap3A_38 = arith.index_cast %mul3A_37 : i32 to index
        %swap3A_39 = tpu.vector_load %arg7[%swap3A_38] {strides = array<i32>} : memref<32768xf32, #tpu.memory_space<vmem>>, vector<16xf32>,
        tpu.vector_store %arg7[%swap3A_38], %broadcast_in_dim3A_32 {strides = array<i32>} : memref<32768xf32, #tpu.memory_space<vmem>>, vector<16xf32>,
        %mul3A_40 = arith.constant 16 : i32
        %mul3A_41 = arith.muli %scan3A_29, %mul3A_40 : i32
        %swap3A_42 = arith.index_cast %mul3A_41 : i32 to index
        %swap3A_43 = tpu.vector_load %arg8[%swap3A_42] {strides = array<i32>} : memref<32768xf32, #tpu.memory_space<vmem>>, vector<16xf32>,
        tpu.vector_store %arg8[%swap3A_42], %broadcast_in_dim3A_32 {strides = array<i32>} : memref<32768xf32, #tpu.memory_space<vmem>>, vector<16xf32>,
        %scan3A_44 = arith.constant 0 : i32
        scf.yield %scan3A_44 : i32
      }
      %scan3A_20 = arith.constant 2048 : i32
      %scan3A_21 = arith.constant 0 : i32
      %scan3A_22 = arith.constant 0 : i32
      %scan3A_23 = arith.constant 16 : i32
      %scan3A_24 = arith.addi %scan3A_22, %scan3A_23 : i32
      %scan3A_25 = arith.constant 1 : i32
      %scan3A_26 = scf.for %scan3A_29 = %scan3A_22 to %scan3A_24 step %scan3A_25 iter_args(%scan3A_30 = %scan3A_21) -> (i32)  : i32 {
        %mul3A_31 = arith.constant 4096 : i32
        %mul3A_32 = arith.muli %scan3A_29, %mul3A_31 : i32
        "tpu.region"() ({
          %run_scoped3A = tpu.sem_alloc : memref<!tpu.dma_semaphore, #tpu.memory_space<semaphore_mem>>
          %dma_start3A = tpu.memref_slice %arg3[%scan3A_12, %mul3A_32] : memref<8x65536xi32, #tpu.memory_space<hbm>> -> memref<1x4096xi32, #tpu.memory_space<hbm>>
          %dma_start3A_62 = tpu.memref_squeeze %dma_start3A : memref<1x4096xi32, #tpu.memory_space<hbm>> -> memref<4096xi32, #tpu.memory_space<hbm>>
          %dma_start3A_63 = tpu.memref_slice %arg3[%scan3A_12, %mul3A_32] : memref<8x65536xi32, #tpu.memory_space<hbm>> -> memref<1x4096xi32, #tpu.memory_space<hbm>>
          %dma_start3A_64 = tpu.memref_squeeze %dma_start3A_63 : memref<1x4096xi32, #tpu.memory_space<hbm>> -> memref<4096xi32, #tpu.memory_space<hbm>>
          tpu.enqueue_dma source(%dma_start3A_64 : memref<4096xi32, #tpu.memory_space<hbm>>) target(%arg11 : memref<4096xi32, #tpu.memory_space<vmem>>) target_semaphore(%run_scoped3A : memref<!tpu.dma_semaphore, #tpu.memory_space<semaphore_mem>>)
          %dma_wait3A = tpu.memref_slice %arg3[%scan3A_12, %mul3A_32] : memref<8x65536xi32, #tpu.memory_space<hbm>> -> memref<1x4096xi32, #tpu.memory_space<hbm>>
          %dma_wait3A_65 = tpu.memref_squeeze %dma_wait3A : memref<1x4096xi32, #tpu.memory_space<hbm>> -> memref<4096xi32, #tpu.memory_space<hbm>>
          %dma_wait3A_66 = tpu.memref_slice %arg3[%scan3A_12, %mul3A_32] : memref<8x65536xi32, #tpu.memory_space<hbm>> -> memref<1x4096xi32, #tpu.memory_space<hbm>>
          %dma_wait3A_67 = tpu.memref_squeeze %dma_wait3A_66 : memref<1x4096xi32, #tpu.memory_space<hbm>> -> memref<4096xi32, #tpu.memory_space<hbm>>
          tpu.wait_dma2 semaphore(%run_scoped3A : memref<!tpu.dma_semaphore, #tpu.memory_space<semaphore_mem>>) src(%dma_wait3A_67 : memref<4096xi32, #tpu.memory_space<hbm>>) dst(%arg11 : memref<4096xi32, #tpu.memory_space<vmem>>)
          tpu.yield
        }) : () -> ()
        %mul3A_33 = arith.constant 4096 : i32
        %mul3A_34 = arith.muli %scan3A_29, %mul3A_33 : i32
        "tpu.region"() ({
          %run_scoped3A = tpu.sem_alloc : memref<!tpu.dma_semaphore, #tpu.memory_space<semaphore_mem>>
          %dma_start3A = tpu.memref_slice %arg2[%scan3A_12, %mul3A_2, %mul3A_34] : memref<8x64x65536xf32, #tpu.memory_space<hbm>> -> memref<1x1x4096xf32, #tpu.memory_space<hbm>>
          %dma_start3A_62 = tpu.memref_squeeze %dma_start3A : memref<1x1x4096xf32, #tpu.memory_space<hbm>> -> memref<4096xf32, #tpu.memory_space<hbm>>
          %dma_start3A_63 = tpu.memref_slice %arg2[%scan3A_12, %mul3A_2, %mul3A_34] : memref<8x64x65536xf32, #tpu.memory_space<hbm>> -> memref<1x1x4096xf32, #tpu.memory_space<hbm>>
          %dma_start3A_64 = tpu.memref_squeeze %dma_start3A_63 : memref<1x1x4096xf32, #tpu.memory_space<hbm>> -> memref<4096xf32, #tpu.memory_space<hbm>>
          tpu.enqueue_dma source(%dma_start3A_64 : memref<4096xf32, #tpu.memory_space<hbm>>) target(%arg9 : memref<4096xf32, #tpu.memory_space<vmem>>) target_semaphore(%run_scoped3A : memref<!tpu.dma_semaphore, #tpu.memory_space<semaphore_mem>>)
          %dma_wait3A = tpu.memref_slice %arg2[%scan3A_12, %mul3A_2, %mul3A_34] : memref<8x64x65536xf32, #tpu.memory_space<hbm>> -> memref<1x1x4096xf32, #tpu.memory_space<hbm>>
          %dma_wait3A_65 = tpu.memref_squeeze %dma_wait3A : memref<1x1x4096xf32, #tpu.memory_space<hbm>> -> memref<4096xf32, #tpu.memory_space<hbm>>
          %dma_wait3A_66 = tpu.memref_slice %arg2[%scan3A_12, %mul3A_2, %mul3A_34] : memref<8x64x65536xf32, #tpu.memory_space<hbm>> -> memref<1x1x4096xf32, #tpu.memory_space<hbm>>
          %dma_wait3A_67 = tpu.memref_squeeze %dma_wait3A_66 : memref<1x1x4096xf32, #tpu.memory_space<hbm>> -> memref<4096xf32, #tpu.memory_space<hbm>>
          tpu.wait_dma2 semaphore(%run_scoped3A : memref<!tpu.dma_semaphore, #tpu.memory_space<semaphore_mem>>) src(%dma_wait3A_67 : memref<4096xf32, #tpu.memory_space<hbm>>) dst(%arg9 : memref<4096xf32, #tpu.memory_space<vmem>>)
          tpu.yield
        }) : () -> ()
        %mul3A_35 = arith.constant 4096 : i32
        %mul3A_36 = arith.muli %scan3A_29, %mul3A_35 : i32
        "tpu.region"() ({
          %run_scoped3A = tpu.sem_alloc : memref<!tpu.dma_semaphore, #tpu.memory_space<semaphore_mem>>
          %dma_start3A = tpu.memref_slice %arg2[%scan3A_12, %add3A_4, %mul3A_36] : memref<8x64x65536xf32, #tpu.memory_space<hbm>> -> memref<1x1x4096xf32, #tpu.memory_space<hbm>>
          %dma_start3A_62 = tpu.memref_squeeze %dma_start3A : memref<1x1x4096xf32, #tpu.memory_space<hbm>> -> memref<4096xf32, #tpu.memory_space<hbm>>
          %dma_start3A_63 = tpu.memref_slice %arg2[%scan3A_12, %add3A_4, %mul3A_36] : memref<8x64x65536xf32, #tpu.memory_space<hbm>> -> memref<1x1x4096xf32, #tpu.memory_space<hbm>>
          %dma_start3A_64 = tpu.memref_squeeze %dma_start3A_63 : memref<1x1x4096xf32, #tpu.memory_space<hbm>> -> memref<4096xf32, #tpu.memory_space<hbm>>
          tpu.enqueue_dma source(%dma_start3A_64 : memref<4096xf32, #tpu.memory_space<hbm>>) target(%arg10 : memref<4096xf32, #tpu.memory_space<vmem>>) target_semaphore(%run_scoped3A : memref<!tpu.dma_semaphore, #tpu.memory_space<semaphore_mem>>)
          %dma_wait3A = tpu.memref_slice %arg2[%scan3A_12, %add3A_4, %mul3A_36] : memref<8x64x65536xf32, #tpu.memory_space<hbm>> -> memref<1x1x4096xf32, #tpu.memory_space<hbm>>
          %dma_wait3A_65 = tpu.memref_squeeze %dma_wait3A : memref<1x1x4096xf32, #tpu.memory_space<hbm>> -> memref<4096xf32, #tpu.memory_space<hbm>>
          %dma_wait3A_66 = tpu.memref_slice %arg2[%scan3A_12, %add3A_4, %mul3A_36] : memref<8x64x65536xf32, #tpu.memory_space<hbm>> -> memref<1x1x4096xf32, #tpu.memory_space<hbm>>
          %dma_wait3A_67 = tpu.memref_squeeze %dma_wait3A_66 : memref<1x1x4096xf32, #tpu.memory_space<hbm>> -> memref<4096xf32, #tpu.memory_space<hbm>>
          tpu.wait_dma2 semaphore(%run_scoped3A : memref<!tpu.dma_semaphore, #tpu.memory_space<semaphore_mem>>) src(%dma_wait3A_67 : memref<4096xf32, #tpu.memory_space<hbm>>) dst(%arg10 : memref<4096xf32, #tpu.memory_space<vmem>>)
          tpu.yield
        }) : () -> ()
        %scan3A_37 = arith.constant 0 : i32
        %scan3A_38 = arith.constant 0 : i32
        %scan3A_39 = arith.constant 256 : i32
        %scan3A_40 = arith.addi %scan3A_38, %scan3A_39 : i32
        %scan3A_41 = arith.constant 1 : i32
        %scan3A_42 = scf.for %scan3A_62 = %scan3A_38 to %scan3A_40 step %scan3A_41 iter_args(%scan3A_63 = %scan3A_37) -> (i32)  : i32 {
          %mul3A_64 = arith.constant 16 : i32
          %mul3A_65 = arith.muli %scan3A_62, %mul3A_64 : i32
          %get3A = arith.index_cast %mul3A_65 : i32 to index
          %get3A_66 = tpu.vector_load %arg11[%get3A] {strides = array<i32>} : memref<4096xi32, #tpu.memory_space<vmem>>, vector<16xi32>,
          %mul3A_67 = arith.constant 16 : i32
          %mul3A_68 = arith.muli %scan3A_62, %mul3A_67 : i32
          %get3A_69 = arith.index_cast %mul3A_68 : i32 to index
          %get3A_70 = tpu.vector_load %arg9[%get3A_69] {strides = array<i32>} : memref<4096xf32, #tpu.memory_space<vmem>>, vector<16xf32>,
          tpu.vector_store_idx %arg6[%get3A_66], %get3A_70 {add = true} : memref<32768xf32, #tpu.memory_space<vmem>>[vector<16xi32>], vector<16xf32>,
          %mul3A_71 = arith.constant 16 : i32
          %mul3A_72 = arith.muli %scan3A_62, %mul3A_71 : i32
          %get3A_73 = arith.index_cast %mul3A_72 : i32 to index
          %get3A_74 = tpu.vector_load %arg10[%get3A_73] {strides = array<i32>} : memref<4096xf32, #tpu.memory_space<vmem>>, vector<16xf32>,
          tpu.vector_store_idx %arg7[%get3A_66], %get3A_74 {add = true} : memref<32768xf32, #tpu.memory_space<vmem>>[vector<16xi32>], vector<16xf32>,
          %scan3A_75 = arith.constant 0 : i32
          scf.yield %scan3A_75 : i32
        }
        %scan3A_43 = arith.constant 256 : i32
        %jit3A = arith.constant 2 : i32
        %div3A = arith.divsi %add3A, %jit3A : i32
        %sign3A = arith.constant 0 : i32
        %sign3A_44 = arith.cmpi sgt, %add3A, %sign3A : i32
        %sign3A_45 = arith.extui %sign3A_44 : i1 to i32
        %sign3A_46 = arith.constant 0 : i32
        %sign3A_47 = arith.cmpi slt, %add3A, %sign3A_46 : i32
        %sign3A_48 = arith.extui %sign3A_47 : i1 to i32
        %sign3A_49 = arith.subi %sign3A_45, %sign3A_48 : i32
        %sign3A_50 = arith.constant 0 : i32
        %sign3A_51 = arith.cmpi sgt, %jit3A, %sign3A_50 : i32
        %sign3A_52 = arith.extui %sign3A_51 : i1 to i32
        %sign3A_53 = arith.constant 0 : i32
        %sign3A_54 = arith.cmpi slt, %jit3A, %sign3A_53 : i32
        %sign3A_55 = arith.extui %sign3A_54 : i1 to i32
        %sign3A_56 = arith.subi %sign3A_52, %sign3A_55 : i32
        %ne3A = arith.cmpi ne, %sign3A_49, %sign3A_56 : i32
        %rem3A = arith.remsi %add3A, %jit3A : i32
        %ne3A_57 = arith.constant 0 : i32
        %ne3A_58 = arith.cmpi ne, %rem3A, %ne3A_57 : i32
        %and3A = arith.andi %ne3A, %ne3A_58 : i1
        %sub3A = arith.constant 1 : i32
        %sub3A_59 = arith.subi %div3A, %sub3A : i32
        %select_n3A = arith.select %and3A, %sub3A_59, %div3A : i32
        %eq3A = arith.cmpi eq, %scan3A_29, %select_n3A : i32
        %convert_element_type3A = arith.extui %eq3A : i1 to i32
        %cond3A = arith.constant 0 : i32
        %cond3A_60 = arith.cmpi ne, %convert_element_type3A, %cond3A : i32
        scf.if %cond3A_60 {
          %jit3A_62 = arith.constant 2 : i32
          %eq3A_63 = arith.constant 0 : i32
          %eq3A_64 = arith.cmpi eq, %jit3A_62, %eq3A_63 : i32
          %jit3A_65 = arith.constant 1 : i32
          %select_n3A_66 = arith.select %eq3A_64, %jit3A_65, %jit3A_62 : i32
          %rem3A_67 = arith.remsi %add3A, %select_n3A_66 : i32
          %ne3A_68 = arith.constant 0 : i32
          %ne3A_69 = arith.cmpi ne, %rem3A_67, %ne3A_68 : i32
          %lt3A = arith.constant 0 : i32
          %lt3A_70 = arith.cmpi slt, %rem3A_67, %lt3A : i32
          %lt3A_71 = arith.constant 0 : i32
          %lt3A_72 = arith.cmpi slt, %select_n3A_66, %lt3A_71 : i32
          %ne3A_73 = arith.xori %lt3A_70, %lt3A_72 : i1
          %and3A_74 = arith.andi %ne3A_73, %ne3A_69 : i1
          %add3A_75 = arith.addi %rem3A_67, %select_n3A_66 : i32
          %select_n3A_76 = arith.select %and3A_74, %add3A_75, %rem3A_67 : i32
          %mul3A_77 = arith.constant 2048 : i32
          %mul3A_78 = arith.muli %select_n3A_76, %mul3A_77 : i32
          %scan3A_79 = arith.constant 0 : i32
          %scan3A_80 = arith.constant 0 : i32
          %scan3A_81 = arith.constant 128 : i32
          %scan3A_82 = arith.addi %scan3A_80, %scan3A_81 : i32
          %scan3A_83 = arith.constant 1 : i32
          %scan3A_84 = scf.for %scan3A_86 = %scan3A_80 to %scan3A_82 step %scan3A_83 iter_args(%scan3A_87 = %scan3A_79) -> (i32)  : i32 {
            %mul3A_88 = arith.constant 16 : i32
            %mul3A_89 = arith.muli %scan3A_86, %mul3A_88 : i32
            %add3A_90 = arith.addi %mul3A_78, %mul3A_89 : i32
            %get3A = arith.index_cast %add3A_90 : i32 to index
            %get3A_91 = tpu.vector_load %arg11[%get3A] {strides = array<i32>} : memref<4096xi32, #tpu.memory_space<vmem>>, vector<16xi32>,
            tpu.vector_store_idx %arg8[%get3A_91], %broadcast_in_dim3A_5 {add = true} : memref<32768xf32, #tpu.memory_space<vmem>>[vector<16xi32>], vector<16xf32>,
            %scan3A_92 = arith.constant 0 : i32
            scf.yield %scan3A_92 : i32
          }
          %scan3A_85 = arith.constant 128 : i32
        } else {
        }
        %scan3A_61 = arith.constant 0 : i32
        scf.yield %scan3A_61 : i32
      }
      %scan3A_27 = arith.constant 16 : i32
      "tpu.region"() ({
        %run_scoped3A = tpu.sem_alloc : memref<!tpu.dma_semaphore, #tpu.memory_space<semaphore_mem>>
        %dma_start3A = arith.constant 0 : i32
        %dma_start3A_29 = tpu.memref_slice %arg4[%scan3A_12, %mul3A_2, %dma_start3A] : memref<8x64x32768xf32, #tpu.memory_space<hbm>> -> memref<1x1x32768xf32, #tpu.memory_space<hbm>>
        %dma_start3A_30 = tpu.memref_squeeze %dma_start3A_29 : memref<1x1x32768xf32, #tpu.memory_space<hbm>> -> memref<32768xf32, #tpu.memory_space<hbm>>
        %dma_start3A_31 = arith.constant 0 : i32
        %dma_start3A_32 = tpu.memref_slice %arg4[%scan3A_12, %mul3A_2, %dma_start3A_31] : memref<8x64x32768xf32, #tpu.memory_space<hbm>> -> memref<1x1x32768xf32, #tpu.memory_space<hbm>>
        %dma_start3A_33 = tpu.memref_squeeze %dma_start3A_32 : memref<1x1x32768xf32, #tpu.memory_space<hbm>> -> memref<32768xf32, #tpu.memory_space<hbm>>
        tpu.enqueue_dma source(%arg6 : memref<32768xf32, #tpu.memory_space<vmem>>) target(%dma_start3A_33 : memref<32768xf32, #tpu.memory_space<hbm>>) target_semaphore(%run_scoped3A : memref<!tpu.dma_semaphore, #tpu.memory_space<semaphore_mem>>)
        %dma_wait3A = arith.constant 0 : i32
        %dma_wait3A_34 = tpu.memref_slice %arg4[%scan3A_12, %mul3A_2, %dma_wait3A] : memref<8x64x32768xf32, #tpu.memory_space<hbm>> -> memref<1x1x32768xf32, #tpu.memory_space<hbm>>
        %dma_wait3A_35 = tpu.memref_squeeze %dma_wait3A_34 : memref<1x1x32768xf32, #tpu.memory_space<hbm>> -> memref<32768xf32, #tpu.memory_space<hbm>>
        %dma_wait3A_36 = arith.constant 0 : i32
        %dma_wait3A_37 = tpu.memref_slice %arg4[%scan3A_12, %mul3A_2, %dma_wait3A_36] : memref<8x64x32768xf32, #tpu.memory_space<hbm>> -> memref<1x1x32768xf32, #tpu.memory_space<hbm>>
        %dma_wait3A_38 = tpu.memref_squeeze %dma_wait3A_37 : memref<1x1x32768xf32, #tpu.memory_space<hbm>> -> memref<32768xf32, #tpu.memory_space<hbm>>
        tpu.wait_dma2 semaphore(%run_scoped3A : memref<!tpu.dma_semaphore, #tpu.memory_space<semaphore_mem>>) src(%arg6 : memref<32768xf32, #tpu.memory_space<vmem>>) dst(%dma_wait3A_38 : memref<32768xf32, #tpu.memory_space<hbm>>)
        tpu.yield
      }) : () -> ()
      "tpu.region"() ({
        %run_scoped3A = tpu.sem_alloc : memref<!tpu.dma_semaphore, #tpu.memory_space<semaphore_mem>>
        %dma_start3A = arith.constant 0 : i32
        %dma_start3A_29 = tpu.memref_slice %arg4[%scan3A_12, %add3A_4, %dma_start3A] : memref<8x64x32768xf32, #tpu.memory_space<hbm>> -> memref<1x1x32768xf32, #tpu.memory_space<hbm>>
        %dma_start3A_30 = tpu.memref_squeeze %dma_start3A_29 : memref<1x1x32768xf32, #tpu.memory_space<hbm>> -> memref<32768xf32, #tpu.memory_space<hbm>>
        %dma_start3A_31 = arith.constant 0 : i32
        %dma_start3A_32 = tpu.memref_slice %arg4[%scan3A_12, %add3A_4, %dma_start3A_31] : memref<8x64x32768xf32, #tpu.memory_space<hbm>> -> memref<1x1x32768xf32, #tpu.memory_space<hbm>>
        %dma_start3A_33 = tpu.memref_squeeze %dma_start3A_32 : memref<1x1x32768xf32, #tpu.memory_space<hbm>> -> memref<32768xf32, #tpu.memory_space<hbm>>
        tpu.enqueue_dma source(%arg7 : memref<32768xf32, #tpu.memory_space<vmem>>) target(%dma_start3A_33 : memref<32768xf32, #tpu.memory_space<hbm>>) target_semaphore(%run_scoped3A : memref<!tpu.dma_semaphore, #tpu.memory_space<semaphore_mem>>)
        %dma_wait3A = arith.constant 0 : i32
        %dma_wait3A_34 = tpu.memref_slice %arg4[%scan3A_12, %add3A_4, %dma_wait3A] : memref<8x64x32768xf32, #tpu.memory_space<hbm>> -> memref<1x1x32768xf32, #tpu.memory_space<hbm>>
        %dma_wait3A_35 = tpu.memref_squeeze %dma_wait3A_34 : memref<1x1x32768xf32, #tpu.memory_space<hbm>> -> memref<32768xf32, #tpu.memory_space<hbm>>
        %dma_wait3A_36 = arith.constant 0 : i32
        %dma_wait3A_37 = tpu.memref_slice %arg4[%scan3A_12, %add3A_4, %dma_wait3A_36] : memref<8x64x32768xf32, #tpu.memory_space<hbm>> -> memref<1x1x32768xf32, #tpu.memory_space<hbm>>
        %dma_wait3A_38 = tpu.memref_squeeze %dma_wait3A_37 : memref<1x1x32768xf32, #tpu.memory_space<hbm>> -> memref<32768xf32, #tpu.memory_space<hbm>>
        tpu.wait_dma2 semaphore(%run_scoped3A : memref<!tpu.dma_semaphore, #tpu.memory_space<semaphore_mem>>) src(%arg7 : memref<32768xf32, #tpu.memory_space<vmem>>) dst(%dma_wait3A_38 : memref<32768xf32, #tpu.memory_space<hbm>>)
        tpu.yield
      }) : () -> ()
      "tpu.region"() ({
        %run_scoped3A = tpu.sem_alloc : memref<!tpu.dma_semaphore, #tpu.memory_space<semaphore_mem>>
        %dma_start3A = arith.constant 0 : i32
        %dma_start3A_29 = tpu.memref_slice %arg5[%scan3A_12, %add3A, %dma_start3A] : memref<8x32x32768xf32, #tpu.memory_space<hbm>> -> memref<1x1x32768xf32, #tpu.memory_space<hbm>>
        %dma_start3A_30 = tpu.memref_squeeze %dma_start3A_29 : memref<1x1x32768xf32, #tpu.memory_space<hbm>> -> memref<32768xf32, #tpu.memory_space<hbm>>
        %dma_start3A_31 = arith.constant 0 : i32
        %dma_start3A_32 = tpu.memref_slice %arg5[%scan3A_12, %add3A, %dma_start3A_31] : memref<8x32x32768xf32, #tpu.memory_space<hbm>> -> memref<1x1x32768xf32, #tpu.memory_space<hbm>>
        %dma_start3A_33 = tpu.memref_squeeze %dma_start3A_32 : memref<1x1x32768xf32, #tpu.memory_space<hbm>> -> memref<32768xf32, #tpu.memory_space<hbm>>
        tpu.enqueue_dma source(%arg8 : memref<32768xf32, #tpu.memory_space<vmem>>) target(%dma_start3A_33 : memref<32768xf32, #tpu.memory_space<hbm>>) target_semaphore(%run_scoped3A : memref<!tpu.dma_semaphore, #tpu.memory_space<semaphore_mem>>)
        %dma_wait3A = arith.constant 0 : i32
        %dma_wait3A_34 = tpu.memref_slice %arg5[%scan3A_12, %add3A, %dma_wait3A] : memref<8x32x32768xf32, #tpu.memory_space<hbm>> -> memref<1x1x32768xf32, #tpu.memory_space<hbm>>
        %dma_wait3A_35 = tpu.memref_squeeze %dma_wait3A_34 : memref<1x1x32768xf32, #tpu.memory_space<hbm>> -> memref<32768xf32, #tpu.memory_space<hbm>>
        %dma_wait3A_36 = arith.constant 0 : i32
        %dma_wait3A_37 = tpu.memref_slice %arg5[%scan3A_12, %add3A, %dma_wait3A_36] : memref<8x32x32768xf32, #tpu.memory_space<hbm>> -> memref<1x1x32768xf32, #tpu.memory_space<hbm>>
        %dma_wait3A_38 = tpu.memref_squeeze %dma_wait3A_37 : memref<1x1x32768xf32, #tpu.memory_space<hbm>> -> memref<32768xf32, #tpu.memory_space<hbm>>
        tpu.wait_dma2 semaphore(%run_scoped3A : memref<!tpu.dma_semaphore, #tpu.memory_space<semaphore_mem>>) src(%arg8 : memref<32768xf32, #tpu.memory_space<vmem>>) dst(%dma_wait3A_38 : memref<32768xf32, #tpu.memory_space<hbm>>)
        tpu.yield
      }) : () -> ()
      %scan3A_28 = arith.constant 0 : i32
      scf.yield %scan3A_28 : i32
    }
    %scan3A_11 = arith.constant 8 : i32
    return
  }
}

module attributes {stable_mosaic.version = 14 : i64} {
  func.func @_prep_body(%arg0: i32, %arg1: memref<1x3x65536xf32, #tpu.memory_space<vmem>>, %arg2: memref<1x3x65536xf32, #tpu.memory_space<vmem>>, %arg3: memref<1x1x65536xi32, #tpu.memory_space<vmem>>) attributes {dimension_semantics = [#tpu.dimension_semantics<arbitrary>], iteration_bounds = array<i64: 8>, scalar_prefetch = 0 : i64, scratch_operands = 0 : i64, tpu.core_type = #tpu.core_type<tc>, window_params = [{transform_indices = @transform_0, window_bounds = array<i64: 1, 3, 65536>}, {transform_indices = @transform_1, window_bounds = array<i64: 1, 3, 65536>}, {transform_indices = @transform_2, window_bounds = array<i64: 1, 1, 65536>}]} {
    %get3A = arith.constant 0 : index
    %get3A_0 = arith.constant 0 : index
    %get3A_1 = arith.constant 0 : index
    %get3A_2 = vector.load %arg1[%get3A, %get3A_0, %get3A_1] : memref<1x3x65536xf32, #tpu.memory_space<vmem>>, vector<1x3x65536xf32>
    %get3A_3 = vector.shape_cast %get3A_2 : vector<1x3x65536xf32> to vector<3x65536xf32>
    %reduce_sum3A = arith.constant dense<0.000000e+00> : vector<65536xf32>
    %reduce_sum3A_4 = vector.multi_reduction <add>, %get3A_3, %reduce_sum3A [0] : vector<3x65536xf32> to vector<65536xf32>
    %broadcast_in_dim3A = vector.shape_cast %reduce_sum3A_4 : vector<65536xf32> to vector<1x65536xf32>
    %div3A = arith.constant 3.000000e+00 : f32
    %div3A_5 = vector.broadcast %div3A : f32 to vector<1x65536xf32>
    %div3A_6 = arith.divf %broadcast_in_dim3A, %div3A_5 : vector<1x65536xf32>
    %sub3A = vector.broadcast %div3A_6 : vector<1x65536xf32> to vector<3x65536xf32>
    %sub3A_7 = arith.subf %get3A_3, %sub3A : vector<3x65536xf32>
    %mul3A = arith.mulf %sub3A_7, %sub3A_7 : vector<3x65536xf32>
    %reduce_sum3A_8 = arith.constant dense<0.000000e+00> : vector<3xf32>
    %reduce_sum3A_9 = vector.multi_reduction <add>, %mul3A, %reduce_sum3A_8 [1] : vector<3x65536xf32> to vector<3xf32>
    %broadcast_in_dim3A_10 = vector.shape_cast %reduce_sum3A_9 : vector<3xf32> to vector<3x1xf32>
    %sqrt3A = math.sqrt %broadcast_in_dim3A_10 : vector<3x1xf32>
    %reduce_max3A = vector.shape_cast %sqrt3A : vector<3x1xf32> to vector<1x3x1xf32>
    %reduce_max3A_11 = arith.constant dense<0xFF800000> : vector<1xf32>
    %reduce_max3A_12 = vector.multi_reduction <maximumf>, %reduce_max3A, %reduce_max3A_11 [1, 2] : vector<1x3x1xf32> to vector<1xf32>
    %reduce_max3A_13 = vector.shape_cast %reduce_max3A_12 : vector<1xf32> to vector<1x1x1xf32>
    %reduce_max3A_14 = vector.extract %reduce_max3A_13[0, 0, 0] : f32 from vector<1x1x1xf32>
    %mul3A_15 = arith.constant 2.000000e+00 : f32
    %mul3A_16 = arith.mulf %reduce_max3A_14, %mul3A_15 : f32
    %div3A_17 = vector.broadcast %mul3A_16 : f32 to vector<3x65536xf32>
    %div3A_18 = arith.divf %sub3A_7, %div3A_17 : vector<3x65536xf32>
    %add3A = arith.constant 5.000000e-01 : f32
    %add3A_19 = vector.broadcast %add3A : f32 to vector<3x65536xf32>
    %add3A_20 = arith.addf %div3A_18, %add3A_19 : vector<3x65536xf32>
    %mul3A_21 = arith.constant 3.200000e+01 : f32
    %mul3A_22 = vector.broadcast %mul3A_21 : f32 to vector<3x65536xf32>
    %mul3A_23 = arith.mulf %add3A_20, %mul3A_22 : vector<3x65536xf32>
    %jit3A = arith.constant 0.000000e+00 : f32
    %jit3A_24 = arith.constant 3.100000e+01 : f32
    %max3A = vector.broadcast %jit3A : f32 to vector<3x65536xf32>
    %max3A_25 = arith.maximumf %max3A, %mul3A_23 : vector<3x65536xf32>
    %min3A = vector.broadcast %jit3A_24 : f32 to vector<3x65536xf32>
    %min3A_26 = arith.minimumf %min3A, %max3A_25 : vector<3x65536xf32>
    %swap3A = arith.constant 0 : index
    %swap3A_27 = arith.constant 0 : index
    %swap3A_28 = arith.constant 0 : index
    %swap3A_29 = vector.load %arg2[%swap3A, %swap3A_27, %swap3A_28] : memref<1x3x65536xf32, #tpu.memory_space<vmem>>, vector<1x3x65536xf32>
    %swap3A_30 = vector.shape_cast %swap3A_29 : vector<1x3x65536xf32> to vector<3x65536xf32>
    %swap3A_31 = vector.shape_cast %min3A_26 : vector<3x65536xf32> to vector<1x3x65536xf32>
    tpu.vector_store %arg2[%swap3A, %swap3A_27, %swap3A_28], %swap3A_31 {strides = array<i32>} : memref<1x3x65536xf32, #tpu.memory_space<vmem>>, vector<1x3x65536xf32>,
    %round3A = math.roundeven %min3A_26 : vector<3x65536xf32>
    %convert_element_type3A = arith.fptosi %round3A : vector<3x65536xf32> to vector<3x65536xi32>
    %slice3A = vector.extract_strided_slice %convert_element_type3A {offsets = [0, 0], sizes = [1, 65536], strides = [1, 1]} : vector<3x65536xi32> to vector<1x65536xi32>
    %mul3A_32 = arith.constant 1024 : i32
    %mul3A_33 = vector.broadcast %mul3A_32 : i32 to vector<1x65536xi32>
    %mul3A_34 = arith.muli %slice3A, %mul3A_33 : vector<1x65536xi32>
    %slice3A_35 = vector.extract_strided_slice %convert_element_type3A {offsets = [1, 0], sizes = [1, 65536], strides = [1, 1]} : vector<3x65536xi32> to vector<1x65536xi32>
    %mul3A_36 = arith.constant 32 : i32
    %mul3A_37 = vector.broadcast %mul3A_36 : i32 to vector<1x65536xi32>
    %mul3A_38 = arith.muli %slice3A_35, %mul3A_37 : vector<1x65536xi32>
    %add3A_39 = arith.addi %mul3A_34, %mul3A_38 : vector<1x65536xi32>
    %slice3A_40 = vector.extract_strided_slice %convert_element_type3A {offsets = [2, 0], sizes = [1, 65536], strides = [1, 1]} : vector<3x65536xi32> to vector<1x65536xi32>
    %add3A_41 = arith.addi %add3A_39, %slice3A_40 : vector<1x65536xi32>
    %swap3A_42 = arith.constant 0 : index
    %swap3A_43 = arith.constant 0 : index
    %swap3A_44 = arith.constant 0 : index
    %swap3A_45 = vector.load %arg3[%swap3A_42, %swap3A_43, %swap3A_44] : memref<1x1x65536xi32, #tpu.memory_space<vmem>>, vector<1x1x65536xi32>
    %swap3A_46 = vector.shape_cast %swap3A_45 : vector<1x1x65536xi32> to vector<1x65536xi32>
    %swap3A_47 = vector.shape_cast %add3A_41 : vector<1x65536xi32> to vector<1x1x65536xi32>
    tpu.vector_store %arg3[%swap3A_42, %swap3A_43, %swap3A_44], %swap3A_47 {strides = array<i32>} : memref<1x1x65536xi32, #tpu.memory_space<vmem>>, vector<1x1x65536xi32>,
    return
  }
  func.func @transform_0(%arg0: i32) -> (i32, i32, i32) {
    %c0_i32 = arith.constant 0 : i32
    %c0_i32_0 = arith.constant 0 : i32
    %c0_i32_1 = arith.constant 0 : i32
    return %arg0, %c0_i32, %c0_i32_0 : i32, i32, i32
  }
  func.func @transform_1(%arg0: i32) -> (i32, i32, i32) {
    %c0_i32 = arith.constant 0 : i32
    %c0_i32_0 = arith.constant 0 : i32
    %c0_i32_1 = arith.constant 0 : i32
    return %arg0, %c0_i32, %c0_i32_0 : i32, i32, i32
  }
  func.func @transform_2(%arg0: i32) -> (i32, i32, i32) {
    %c0_i32 = arith.constant 0 : i32
    %c0_i32_0 = arith.constant 0 : i32
    %c0_i32_1 = arith.constant 0 : i32
    return %arg0, %c0_i32, %c0_i32_0 : i32, i32, i32
  }
}

module attributes {stable_mosaic.version = 14 : i64} {
  func.func @_transpose_body(%arg0: i32, %arg1: i32, %arg2: memref<1x2048x64xf32, #tpu.memory_space<vmem>>, %arg3: memref<1x64x2048xf32, #tpu.memory_space<vmem>>) attributes {dimension_semantics = [#tpu.dimension_semantics<arbitrary>, #tpu.dimension_semantics<arbitrary>], iteration_bounds = array<i64: 8, 32>, scalar_prefetch = 0 : i64, scratch_operands = 0 : i64, tpu.core_type = #tpu.core_type<tc>, window_params = [{transform_indices = @transform_0, window_bounds = array<i64: 1, 2048, 64>}, {transform_indices = @transform_1, window_bounds = array<i64: 1, 64, 2048>}]} {
    %get3A = arith.constant 0 : index
    %get3A_0 = arith.constant 0 : index
    %get3A_1 = arith.constant 0 : index
    %get3A_2 = vector.load %arg2[%get3A, %get3A_0, %get3A_1] : memref<1x2048x64xf32, #tpu.memory_space<vmem>>, vector<1x2048x64xf32>
    %get3A_3 = vector.shape_cast %get3A_2 : vector<1x2048x64xf32> to vector<2048x64xf32>
    %transpose3A = tpu.transpose %get3A_3, [1, 0] : vector<2048x64xf32> -> vector<64x2048xf32>
    %swap3A = arith.constant 0 : index
    %swap3A_4 = arith.constant 0 : index
    %swap3A_5 = arith.constant 0 : index
    %swap3A_6 = vector.load %arg3[%swap3A, %swap3A_4, %swap3A_5] : memref<1x64x2048xf32, #tpu.memory_space<vmem>>, vector<1x64x2048xf32>
    %swap3A_7 = vector.shape_cast %swap3A_6 : vector<1x64x2048xf32> to vector<64x2048xf32>
    %swap3A_8 = vector.shape_cast %transpose3A : vector<64x2048xf32> to vector<1x64x2048xf32>
    tpu.vector_store %arg3[%swap3A, %swap3A_4, %swap3A_5], %swap3A_8 {strides = array<i32>} : memref<1x64x2048xf32, #tpu.memory_space<vmem>>, vector<1x64x2048xf32>,
    return
  }
  func.func @transform_0(%arg0: i32, %arg1: i32) -> (i32, i32, i32) {
    %c0_i32 = arith.constant 0 : i32
    %c0_i32_0 = arith.constant 0 : i32
    return %arg0, %arg1, %c0_i32 : i32, i32, i32
  }
  func.func @transform_1(%arg0: i32, %arg1: i32) -> (i32, i32, i32) {
    %c0_i32 = arith.constant 0 : i32
    %c0_i32_0 = arith.constant 0 : i32
    return %arg0, %c0_i32, %arg1 : i32, i32, i32
  }
}

module attributes {stable_mosaic.version = 14 : i64} {
  func.func @_finalize_body(%arg0: i32, %arg1: i32, %arg2: memref<1x64x2048xf32, #tpu.memory_space<vmem>>, %arg3: memref<1x32x2048xf32, #tpu.memory_space<vmem>>, %arg4: memref<1x64x2048xf32, #tpu.memory_space<vmem>>) attributes {dimension_semantics = [#tpu.dimension_semantics<arbitrary>, #tpu.dimension_semantics<arbitrary>], iteration_bounds = array<i64: 8, 16>, scalar_prefetch = 0 : i64, scratch_operands = 0 : i64, tpu.core_type = #tpu.core_type<tc>, window_params = [{transform_indices = @transform_0, window_bounds = array<i64: 1, 64, 2048>}, {transform_indices = @transform_1, window_bounds = array<i64: 1, 32, 2048>}, {transform_indices = @transform_2, window_bounds = array<i64: 1, 64, 2048>}]} {
    %get3A = arith.constant 0 : index
    %get3A_0 = arith.constant 0 : index
    %get3A_1 = arith.constant 0 : index
    %get3A_2 = vector.load %arg3[%get3A, %get3A_0, %get3A_1] : memref<1x32x2048xf32, #tpu.memory_space<vmem>>, vector<1x32x2048xf32>
    %get3A_3 = vector.shape_cast %get3A_2 : vector<1x32x2048xf32> to vector<32x2048xf32>
    %reduce_sum3A = arith.constant dense<0.000000e+00> : vector<2048xf32>
    %reduce_sum3A_4 = vector.multi_reduction <add>, %get3A_3, %reduce_sum3A [0] : vector<32x2048xf32> to vector<2048xf32>
    %broadcast_in_dim3A = vector.shape_cast %reduce_sum3A_4 : vector<2048xf32> to vector<1x2048xf32>
    %jit3A = arith.constant 1.000000e+00 : f32
    %max3A = vector.broadcast %jit3A : f32 to vector<1x2048xf32>
    %max3A_5 = arith.maximumf %max3A, %broadcast_in_dim3A : vector<1x2048xf32>
    %get3A_6 = arith.constant 0 : index
    %get3A_7 = arith.constant 0 : index
    %get3A_8 = arith.constant 0 : index
    %get3A_9 = vector.load %arg2[%get3A_6, %get3A_7, %get3A_8] : memref<1x64x2048xf32, #tpu.memory_space<vmem>>, vector<1x64x2048xf32>
    %get3A_10 = vector.shape_cast %get3A_9 : vector<1x64x2048xf32> to vector<64x2048xf32>
    %div3A = vector.broadcast %max3A_5 : vector<1x2048xf32> to vector<64x2048xf32>
    %div3A_11 = arith.divf %get3A_10, %div3A : vector<64x2048xf32>
    %swap3A = arith.constant 0 : index
    %swap3A_12 = arith.constant 0 : index
    %swap3A_13 = arith.constant 0 : index
    %swap3A_14 = vector.load %arg4[%swap3A, %swap3A_12, %swap3A_13] : memref<1x64x2048xf32, #tpu.memory_space<vmem>>, vector<1x64x2048xf32>
    %swap3A_15 = vector.shape_cast %swap3A_14 : vector<1x64x2048xf32> to vector<64x2048xf32>
    %swap3A_16 = vector.shape_cast %div3A_11 : vector<64x2048xf32> to vector<1x64x2048xf32>
    tpu.vector_store %arg4[%swap3A, %swap3A_12, %swap3A_13], %swap3A_16 {strides = array<i32>} : memref<1x64x2048xf32, #tpu.memory_space<vmem>>, vector<1x64x2048xf32>,
    return
  }
  func.func @transform_0(%arg0: i32, %arg1: i32) -> (i32, i32, i32) {
    %c0_i32 = arith.constant 0 : i32
    %c0_i32_0 = arith.constant 0 : i32
    return %arg0, %c0_i32, %arg1 : i32, i32, i32
  }
  func.func @transform_1(%arg0: i32, %arg1: i32) -> (i32, i32, i32) {
    %c0_i32 = arith.constant 0 : i32
    %c0_i32_0 = arith.constant 0 : i32
    return %arg0, %c0_i32, %arg1 : i32, i32, i32
  }
  func.func @transform_2(%arg0: i32, %arg1: i32) -> (i32, i32, i32) {
    %c0_i32 = arith.constant 0 : i32
    %c0_i32_0 = arith.constant 0 : i32
    return %arg0, %c0_i32, %arg1 : i32, i32, i32
  }
}

</mosaic_0001>

<sc_bundles>
// kernel: kernel.6.cloned.1.call-start
scs
__scs_entry_jumppad:
0x0: {  	(pc) =	sbr.rel $0x88, $3  }
0x1: {  	(tag) =	ssettag $0x0;
	lr =	simm.s32 $0x1  }
0x2: {  	[smem:$0x3F9F] =	sst lr;
	_ =	strace $0xD0000000  }
0x3: {  	_ = 	snop  }
0x4: {  	_ = 	snop  }
0x5: {  	_ = 	snop  }
0x6: {  	_ = 	snop  }
0x7: {  	_ = 	snop  }
__scs_overlays_trampoline_lowered:
0x8: {  	[smem:$0x3FAE] =	sst s0  }
0x9: {  	[smem:$0x3FAF] =	sst s1  }
0xa: {  	[smem:$0x3FB0] =	sst s2  }
0xb: {  	[smem:$0x3FB1] =	sst s3  }
0xc: {  	[smem:$0x3FB2] =	sst s4  }
0xd: {  	[smem:$0x3FB3] =	sst s5  }
0xe: {  	[smem:$0x3FB4] =	sst s6  }
0xf: {  	[smem:$0x3FB5] =	sst s7  }
0x10: {  	[smem:$0x3FB6] =	sst s8  }
0x11: {  	[smem:$0x3FB7] =	sst s9;
	s0 =	simm.s32 @!p0 $0x0  }
0x12: {  	s1 =	sld [smem:$0x3F9D];
	s0 =	simm.s32 @p0 $0x1  }
0x13: {  	[smem:$0x3FB8] =	sst s0;
	s0 =	simm.s32 @!p1 $0x0  }
0x14: {  	s2 =	sld [smem:$0x3F9C];
	s0 =	simm.s32 @p1 $0x1  }
0x15: {  	[smem:$0x3FB9] =	sst s0;
	s0 =	simm.s32 @!p2 $0x0  }
0x16: {  	s3 =	sld [smem:$0x3FDB];
	s0 =	simm.s32 @p2 $0x1  }
0x17: {  	s4 =	simm.s32 $0x1BF5;
	[smem:$0x3FBB] =	sst s0  }
0x18: {  	s0 =	sld [smem:$0x3F9E];
	_ =	swait.ge [sflag:s4], $0x0  }
0x19: {  	s7 =	sld [smem:$0x3F9F]  }
0x1a: {  	s8 =	sadd.s32 $0xFFFFE003, lr  }
0x1b: {  	s9 =	sadd.s32 $0xFFFFFEF7, lr;
	s5 =	simm.s32 $0xFFFFFFFF;
	p2 =	slt.u32 s8, $0xFFFFF086  }
0x1c: {  	p1 =	slt.u32 s9, $0xF7A;
	s5 =	simm.s32 @!p2 $0x0  }
0x1d: {  	s5 =	simm.s32 @p1 $0x1;
	p0 =	seq.s32 s7, s2  }
0x1e: {  	s7 =	smul.u32 @!p0 $0xF7A, s2;
	p2 =	seq.s32 @!p0 s5, $0x0  }
0x1f: {  	s9 =	smul.u32 $0xF7A, s1;
	s8 =	simm.s32 @!p0 $0x1BF5;
	p2 =	por !p2, p0  }
0x20: {  	[sflag:s8] =	ssyncset.s32 @!p0 $0xFFFFF086;
	s6 =	sadd.s32 @!p0 s3, s7;
	s7 =	simm.s32 @!p0 $0x108  }
0x21: {  	s3 =	sadd.s32 s3, s9;
	s6 =	sadd.s32 @!p0 $0x88, s6;
	s7 =	simm.s32 @p2 $0x1082  }
0x22: {  	[simem:s7], [sflag:s8] =	dma.local @!p0 [hbm:s6], $0xF7A  }
0x23: {  	s9 =	sor.u32 $0xD0000000, s2;
	s6 =	simm.s32 $0x108;
	_ =	swait.ge @!p0 [sflag:s8], $0x0  }
0x24: {  	s3 =	sadd.s32 $0x88, s3;
	s6 =	simm.s32 @!p1 $0x1082;
	[sflag:s4] =	ssyncset.s32 $0xFFFFF086  }
0x25: {  	[simem:s6], [sflag:s4] =	dma.local [hbm:s3], $0xF7A  }
0x26: {  	[smem:$0x3F9F] =	sst s1;
	(tag) =	ssettag s2;
	_ =	strace s9  }
0x27: {  	s1 =	sld [smem:$0x3FAF]  }
0x28: {  	s2 =	sld [smem:$0x3FB0]  }
0x29: {  	s4 =	sld [smem:$0x3FB2]  }
0x2a: {  	p0 =	seq.s32 s5, $0x0;
	s5 =	sld [smem:$0x3FB3]  }
0x2b: {  	s6 =	sld [smem:$0x3FB4]  }
0x2c: {  	s7 =	sld [smem:$0x3FB5]  }
0x2d: {  	s3 =	simm.s32 $0x108;
	s8 =	sld [smem:$0x3FB6]  }
0x2e: {  	s3 =	simm.s32 @!p0 $0x1082;
	s9 =	sld [smem:$0x3FB7]  }
0x2f: {  	lr =	sadd.s32 s0, s3;
	s0 =	sld [smem:$0x3FAE]  }
0x30: {  	s3 =	sld [smem:$0x3FB1]  }
0x31: {  	[smem:$0x3FBA] =	sst s10  }
0x32: {  	s10 =	sld [smem:$0x3FB8];
	_ =	sdelay $0x3  }
0x33: {  	p0 =	seq.s32 s10, $0x1;
	s10 =	sld [smem:$0x3FBA];
	_ =	sdelay $0x3  }
0x34: {  	[smem:$0x3FBA] =	sst s10  }
0x35: {  	s10 =	sld [smem:$0x3FB9];
	_ =	sdelay $0x3  }
0x36: {  	p1 =	seq.s32 s10, $0x1;
	s10 =	sld [smem:$0x3FBA];
	_ =	sdelay $0x3  }
0x37: {  	[smem:$0x3FBA] =	sst s10  }
0x38: {  	s10 =	sld [smem:$0x3FBB]  }
0x39: {  	_ = 	snop;
	(pc) =	sbr.ind lr, $3  }
0x3a: {  	_ = 	snop  }
0x3b: {  	_ = 	snop  }
0x3c: {  	p2 =	seq.s32 s10, $0x1;
	s10 =	sld [smem:$0x3FBA]  }
0x3d: {  	_ =	shalt  }
0x3e: {  	_ =	shalt  }
0x3f: {  	_ =	shalt  }
0x40: {  	_ =	shalt  }
0x41: {  	_ =	shalt  }
0x42: {  	_ =	shalt  }
0x43: {  	_ =	shalt  }
0x44: {  	_ =	shalt  }
0x45: {  	_ =	shalt  }
0x46: {  	_ =	shalt  }
0x47: {  	_ =	shalt  }
0x48: {  	_ =	shalt  }
0x49: {  	_ =	shalt  }
0x4a: {  	_ =	shalt  }
0x4b: {  	_ =	shalt  }
0x4c: {  	_ =	shalt  }
0x4d: {  	_ =	shalt  }
0x4e: {  	_ =	shalt  }
0x4f: {  	_ =	shalt  }
0x50: {  	_ =	shalt  }
0x51: {  	_ =	shalt  }
0x52: {  	_ =	shalt  }
0x53: {  	_ =	shalt  }
0x54: {  	_ =	shalt  }
0x55: {  	_ =	shalt  }
0x56: {  	_ =	shalt  }
0x57: {  	_ =	shalt  }
0x58: {  	_ =	shalt  }
0x59: {  	_ =	shalt  }
0x5a: {  	_ =	shalt  }
0x5b: {  	_ =	shalt  }
0x5c: {  	_ =	shalt  }
0x5d: {  	_ =	shalt  }
0x5e: {  	_ =	shalt  }
0x5f: {  	_ =	shalt  }
0x60: {  	_ =	shalt  }
0x61: {  	_ =	shalt  }
0x62: {  	_ =	shalt  }
0x63: {  	_ =	shalt  }
0x64: {  	_ =	shalt  }
0x65: {  	_ =	shalt  }
0x66: {  	_ =	shalt  }
0x67: {  	_ =	shalt  }
0x68: {  	_ =	shalt  }
0x69: {  	_ =	shalt  }
0x6a: {  	_ =	shalt  }
0x6b: {  	_ =	shalt  }
0x6c: {  	_ =	shalt  }
0x6d: {  	_ =	shalt  }
0x6e: {  	_ =	shalt  }
0x6f: {  	_ =	shalt  }
0x70: {  	_ =	shalt  }
0x71: {  	_ =	shalt  }
0x72: {  	_ =	shalt  }
0x73: {  	_ =	shalt  }
0x74: {  	_ =	shalt  }
0x75: {  	_ =	shalt  }
0x76: {  	_ =	shalt  }
0x77: {  	_ =	shalt  }
0x78: {  	_ =	shalt  }
0x79: {  	_ =	shalt  }
0x7a: {  	_ =	shalt  }
0x7b: {  	_ =	shalt  }
0x7c: {  	_ =	shalt  }
0x7d: {  	_ =	shalt  }
0x7e: {  	_ =	shalt  }
0x7f: {  	_ =	shalt  }
0x80: {  	_ =	shalt  }
0x81: {  	_ =	shalt  }
0x82: {  	_ =	shalt  }
0x83: {  	_ =	shalt  }
0x84: {  	_ =	shalt  }
0x85: {  	_ =	shalt  }
0x86: {  	_ =	shalt  }
0x87: {  	_ =	shalt  }
.Lfunc_end0:
.L_simem_size_0:
called_computation_lowered:
.L_overlay_start_0:
0x88: {  	s2 =	sld [smem:$0x3FD9]  }
0x89: {  	s3 =	sld [smem:$0x3FFE];
	_ =	sdelay $0x1  }
0x8a: {  	s1 =	srdreg.scid  }
0x8b: {  	s0 =	sand.u32 $0x1, s1  }
0x8c: {  	s14 =	sshll.u32 s0, $0xA;
	s2 =	sadd.s32 s3, s2  }
0x8d: {  	s2 =	sadd.s32 s2, s14  }
0x8e: {  	[smem:$0x3FC6] =	sst s2  }
0x8f: {  	_ = 	snop  }
0x90: {  	s2 =	sld [smem:$0x3FD0];
	_ =	sdelay $0x2  }
0x91: {  	s15 =	simm.s32 $0xA;
	s4 =	simm.s32 $0x10  }
0x92: {  	[smem:s4], [sflag:s15] =	dma.local [hbm:s2], $0x1  }
0x93: {  	_ =	swait.eq [sflag:s15], $0x1  }
0x94: {  	[sflag:s15] =	ssyncset.done $0x0  }
0x95: {  	[sflag:s15] =	ssyncadd.s32 $0xFFFFFFFF  }
0x96: {  	s16 =	sld [smem:$0x10];
	(tm) =	ssettm $0x1  }
0x97: {  	s17 =	sld [smem:$0x3FFB];
	_ =	sdelay $0x3  }
0x98: {  	_ =	strace s17  }
0x99: {  	s3 =	sld [smem:$0x3FFC];
	_ =	sdelay $0x3  }
0x9a: {  	_ =	strace s3  }
0x9b: {  	s3 =	sld [smem:$0x3FFD];
	_ =	sdelay $0x3  }
0x9c: {  	_ =	strace s3  }
0x9d: {  	_ =	strace $0x8FFFFFFF  }
0x9e: {  	s18 =	sld [smem:$0x3FDB];
	_ =	sdelay $0x1  }
0x9f: {  	s19 =	simm.s32 $_scs_section_size  }
0xa0: {  	s5 =	simm.s32 $_size__tile_overlayer_lowered;
	s6 =	simm.s32 $_tile_overlayer_lowered  }
0xa1: {  	s22 =	simm.s32 $0x1BFF;
	s21 =	sshll.u32 s6, $0x1;
	s3 =	sadd.s32 s19, s18  }
0xa2: {  	s7 =	simm.s32 $0x0;
	s20 =	sshll.u32 s5, $0x1;
	s5 =	sadd.s32 s21, s3  }
0xa3: {  	[timem:s7], [sflag:s22] =	dma.local [hbm:s5], s20  }
0xa4: {  	_ =	swait.ge [sflag:s22], s20  }
0xa5: {  	s4 =	ssub.s32 $0x0, s20;
	[sflag:s22] =	ssyncset.done $0x0  }
0xa6: {  	[sflag:s22] =	ssyncadd.s32 s4;
	_ =	sdelay $0x1  }
0xa7: {  	s23 =	simm.s32 $0x1B8B  }
0xa8: {  	_ =	swait.ge [sflag:s23], $0x1  }
0xa9: {  	[sflag:s23] =	ssyncset.done $0x0  }
0xaa: {  	s25 =	simm.s32 $0x1B8E;
	s24 =	sld [smem:$0x3FFE];
	[sflag:s23] =	ssyncadd.s32 $0xFFFFFFFF  }
0xab: {  	s26 =	simm.s32 $execute0_lowered;
	[smem:$0x3FD2] =	sst s25  }
0xac: {  	s5 =	sshll.u32 s26, $0x1;
	_ =	strace $0x80000046;
	[dreg:$0x1] =	wrdreg $0xFFFFFFFF  }
0xad: {  	s28 =	simm.s32 $_size_execute0_lowered;
	s3 =	sadd.s32 s3, s5;
	[dreg:$0x0] =	wrdreg $0x0  }
0xae: {  	s5 =	sshll.u32 s28, $0x1;
	[dreg:$0x2] =	wrdreg s3  }
0xaf: {  	[dreg:$0x3] =	wrdreg s5  }
0xb0: {  	[dreg:$0x4] =	wrdreg $0xC0  }
0xb1: {  	_ =	task [dreg:s7], $0x5FFFF  }
0xb2: {  	[dreg:$0x1] =	wrdreg $0xFFFFFFFF  }
0xb3: {  	[dreg:$0x0] =	wrdreg $0x60  }
0xb4: {  	[dreg:$0x2] =	wrdreg s16  }
0xb5: {  	[dreg:$0x3] =	wrdreg s24  }
0xb6: {  	[dreg:$0x4] =	wrdreg $0x9  }
0xb7: {  	_ =	task.clear_ibuf [dreg:s7], $0x5FFFF;
	_ =	strace $0x90000046  }
0xb8: {  	s29 =	simm.s32 $0x9;
	_ =	strace $0x80000048  }
0xb9: {  	_ =	swait.ge [sflag:s29], $0x1  }
0xba: {  	[sflag:s29] =	ssyncadd.s32 $0xFFFFFFFF  }
0xbb: {  	_ =	strace $0x90000048  }
0xbc: {  	_ =	sfence  }
0xbd: {  	s30 =	sld [smem:$0x0];
	_ =	sdelay $0x2  }
0xbe: {  	s31 =	sshll.u32 s1, $0xD;
	s1 =	sshrl.u32 s1, $0x2  }
0xbf: {  	s3 =	sand.u32 $0x4000, s31;
	s1 =	sadd.s32 s1, s30  }
0xc0: {  	s0 =	sor.u32 s3, s0;
	s1 =	sshll.u32 s1, $0x11  }
0xc1: {  	s0 =	sor.u32 s1, s0  }
0xc2: {  	s0 =	sadd.s32 $0x8F2B, s0  }
0xc3: {  	[sflag:s0] =	ssyncadd.remote.s32 $0x1  }
0xc4: {  	_ =	sfence.sel $0xFFFF  }
0xc5: {  	[dreg:$0x0] =	wrdreg $0xFFFFFFFF;
	(pc) =	sbr.abs _section_cstart, $3  }
0xc6: {  	[dreg:$0x1] =	wrdreg $0xFFFFFFFF  }
0xc7: {  	_ =	task.clear_ibuf [dreg:s7], $0x2FFFF;
	_ =	strace $0x9FFFFFFF  }
0xc8: {  	(tm) =	ssettm $0x7FFFFFFF  }
0xc9: {  	_ =	shalt  }
tec
execute0_lowered:
.L_overlay_start_1:
0x0: {  	(tag) =	ssettag $0x1  }
0x1: {  	s1 =	rddreg [dreg:$0x0]  }
0x2: {  	s6 =	rddreg [dreg:$0x1]  }
0x3: {  	s0 =	rddreg [dreg:$0x2]  }
0x4: {  	s2 =	simm.s32 $0x0;
	s7 =	srdreg.scid;
	s3 =	stileid.u32  }
0x5: {  	s17 =	simm.s32 $0x1A000;
	s18 =	simm.s32 $0x18000;
	s19 =	simm.s32 $0x19000  }
0x6: {  	s20 =	simm.s32 $0x8000;
	s21 =	simm.s32 $0x10000;
	s22 =	simm.s32 $0x0  }
0x7: {  	[smem:$0x7FF] =	sst s2;
	s4 =	sadd.s32 $0xC00, s6;
	s5 =	sadd.s32 $0x10C00, s6  }
0x8: {  	s10 =	sand.u32 $0x1, s7;
	s28 =	sshll.u32 s3, $0xD;
	s9 =	sshll.u32 s3, $0x1  }
0x9: {  	s30 =	sshll.u32 s3, $0x12;
	s16 =	sshll.u32 s3, $0x11;
	_ =	strace $0x80000047  }
0xa: {  	s8 =	ssub.s32 $0x2, s10;
	s7 =	sand.u32 $0x18000, s28;
	s12 =	sor.u32 s10, s9  }
0xb: {  	p1 =	seq.s32 s10, $0x1;
	s9 =	simm.s32 $0x1;
	s10 =	sshll.u32 s10, $0xB  }
0xc: {  	s16 =	sand.u32 $0x1C0000, s16;
	s11 =	sshrl.u32 s8, $0x1;
	s13 =	sadd.s32 s7, s6  }
0xd: {  	s29 =	sshll.u32 s12, $0x8;
	p0 =	seq.s32 s12, $0x0;
	s7 =	sand.u32 $0x380000, s30  }
0xe: {  	s12 =	sshll.u32 s12, $0x4;
	s10 =	sor.u32 $0x1A000, s10;
	s14 =	ssub.s32 s8, s11  }
0xf: {  	s31 =	sand.u32 $0x300, s29;
	p0 =	por !p0, !p1;
	s8 =	simm.s32 $0x1  }
.Ltmp0:
0x10: {  	s12 =	sand.u32 $0x70, s12;
	s15 =	sor.u32 $0x80, s31;
	(pc) =	sbr.rel .LBB2_1-.Ltmp0, $4  }
0x11: {  	p0 =	por !p0, !p0;
	s6 =	sor.u32 s31, s7;
	s13 =	sadd.s32 s12, s13  }
0x12: {  	s11 =	sor.u32 s31, s16;
	s14 =	smax.u32 s14, $0x1;
	s7 =	sor.u32 s15, s7  }
0x13: {  	s9 =	simm.s32 @!p0 $0x0;
	s12 =	sor.u32 s15, s16;
	s13 =	sadd.s32 $0x210C00, s13  }
0x14: {  	v0 =	vimm.f32 $0.0e+00;
	v1 =	vimm.f32 $1.000000000e+00;
	s15 =	simm.s32 $0x80;
	s16 =	simm.s32 $0x400;
	s9 =	ssub.s32 s3, s9  }
.LBB2_13:
0x15: {  	s22 =	sadd.s32 $0x1, s22  }
0x16: {  	p0 =	sne.s32 s22, s14  }
.Ltmp1:
0x17: {  	_ = 	snop;
	(pc) =	sbr.rel @!p0 .LBB2_14-.Ltmp1, $1  }
0x18: {  	_ =	sdelay $0x3  }
.LBB2_1:
.Ltmp2:
0x19: {  	(pc) =	sbr.rel .LBB2_2-.Ltmp2, $2  }
0x1a: {  	_ =	sdelay $0x2  }
0x1b: {  	s23 =	simm.s32 $0x0  }
.LBB2_12:
0x1c: {  	s24 =	sshll.u32 s23, $0x15  }
0x1d: {  	s25 =	sor.u32 s11, s24  }
0x1e: {  	s25 =	sshrl.u32 s25, $0x3  }
0x1f: {  	s25 =	sadd.s32 s5, s25  }
0x20: {  	[hbm4b:s25+s15] =	stream.strided.scatter [tilespmem:s2], [sflag:$0x1], $0x8000, s16, s15, $0x38;
	[tilespmem:$0x1B000] =	vst v63  }
0x21: {  	s24 =	sor.u32 s12, s24;
	_ =	swait.ge [sflag:s8], $0x8000  }
0x22: {  	s24 =	sshrl.u32 s24, $0x3;
	[sflag:s8] =	ssyncset.done $0x0  }
0x23: {  	s24 =	sadd.s32 s5, s24;
	[sflag:s8] =	ssyncadd.s32 $0xFFFF8000  }
0x24: {  	[hbm4b:s24+s15] =	stream.strided.scatter [tilespmem:s20], [sflag:$0x1], $0x8000, s16, s15, $0x38;
	[tilespmem:$0x1B000] =	vst v63  }
0x25: {  	s31 =	sshll.u32 s23, $0x11;
	s23 =	sadd.s32 $0x1, s23;
	_ =	swait.ge [sflag:s8], $0x8000  }
0x26: {  	p0 =	sne.s32 s23, $0x8;
	[sflag:s8] =	ssyncset.done $0x0  }
.Ltmp3:
0x27: {  	s24 =	sadd.s32 s31, s13;
	[sflag:s8] =	ssyncadd.s32 $0xFFFF8000;
	(pc) =	sbr.rel @!p0 .LBB2_13-.Ltmp3, $4  }
0x28: {  	[hbm4b:s24+s15] =	stream.strided.scatter [tilespmem:s21], [sflag:$0x1], $0x8000, s16, s15, $0x38;
	[tilespmem:$0x1B000] =	vst v63  }
0x29: {  	_ =	swait.ge [sflag:s8], $0x8000  }
0x2a: {  	[sflag:s8] =	ssyncset.done $0x0  }
0x2b: {  	[sflag:s8] =	ssyncadd.s32 $0xFFFF8000  }
.LBB2_2:
0x2c: {  	s24 =	simm.s32 $0x40;
	s25 =	simm.s32 $0x0  }
.LBB2_3:
0x2d: {  	p0 =	seq.s32 s24, $0x1FFC0;
	[tilespmem:s25+$0x10000] =	vst v0;
	s26 =	smov.u32 s24;
	s24 =	sadd.s32 $0x40, s24  }
.Ltmp4:
0x2e: {  	[tilespmem:s25+$0x0] =	vst v0;
	(pc) =	sbr.rel @!p0 .LBB2_3-.Ltmp4, $2  }
0x2f: {  	[tilespmem:s25+$0x8000] =	vst v0;
	_ =	sdelay $0x2  }
0x30: {  	s25 =	sshra.s32 s26, $0x2  }
.Ltmp5:
0x31: {  	(pc) =	sbr.rel .LBB2_5-.Ltmp5, $4  }
0x32: {  	_ = 	snop  }
0x33: {  	[tilespmem:s25+$0x10000] =	vst v0  }
0x34: {  	[tilespmem:s25+$0x0] =	vst v0;
	s24 =	sshll.u32 s23, $0x7;
	s26 =	sshll.u32 s23, $0x16  }
0x35: {  	[tilespmem:s25+$0x8000] =	vst v0;
	s28 =	simm.s32 $0x0;
	s25 =	sor.u32 s6, s26;
	s26 =	sor.u32 s7, s26  }
.LBB2_10:
0x36: {  	_ =	sdelay $0x2  }
0x37: {  	s29 =	sand.u32 $0x70, s29;
	s30 =	sadd.s32 s31, s10  }
0x38: {  	[tilespmem:v2+s21+$0x0] =	vst.idx.add.f32.msk $0xffff, v1;
	s29 =	sadd.s32 s29, s30  }
0x39: {  	v2 =	vld [tilespmem:s29+$0x0];
	_ =	sdelay $0x7  }
0x3a: {  	[tilespmem:v2+s21+$0x0] =	vst.idx.add.f32.msk $0xffff, v1  }
.LBB2_11:
0x3b: {  	s28 =	sadd.s32 $0x1, s28  }
0x3c: {  	p0 =	sne.s32 s28, $0x10  }
.Ltmp6:
0x3d: {  	_ = 	snop;
	(pc) =	sbr.rel @!p0 .LBB2_12-.Ltmp6, $1  }
0x3e: {  	_ =	sdelay $0x3  }
.LBB2_5:
0x3f: {  	s29 =	sshll.u32 s28, $0xF  }
0x40: {  	s30 =	sadd.s32 s24, s29  }
0x41: {  	s30 =	sshrl.u32 s30, $0x3  }
0x42: {  	s30 =	sadd.s32 s4, s30  }
0x43: {  	[tilespmem:s17], [sflag:$0x1] =	stream.strided.gather [hbm4b:s30+s15], $0x1000, s16, s15, $0x38;
	[tilespmem:$0x1B000] =	vst v63  }
0x44: {  	s30 =	sor.u32 s29, s25;
	_ =	swait.ge [sflag:s8], $0x1000  }
0x45: {  	s30 =	sshrl.u32 s30, $0x3;
	[sflag:s8] =	ssyncset.done $0x0  }
0x46: {  	s30 =	sadd.s32 s1, s30;
	[sflag:s8] =	ssyncadd.s32 $0xFFFFF000  }
0x47: {  	[tilespmem:s18], [sflag:$0x1] =	stream.strided.gather [hbm4b:s30+s15], $0x1000, s16, s15, $0x38;
	[tilespmem:$0x1B000] =	vst v63  }
0x48: {  	s29 =	sor.u32 s29, s26;
	_ =	swait.ge [sflag:s8], $0x1000  }
0x49: {  	s29 =	sshrl.u32 s29, $0x3;
	[sflag:s8] =	ssyncset.done $0x0  }
0x4a: {  	s29 =	sadd.s32 s1, s29;
	[sflag:s8] =	ssyncadd.s32 $0xFFFFF000  }
0x4b: {  	[tilespmem:s19], [sflag:$0x1] =	stream.strided.gather [hbm4b:s29+s15], $0x1000, s16, s15, $0x38;
	[tilespmem:$0x1B000] =	vst v63  }
0x4c: {  	_ =	swait.ge [sflag:s8], $0x1000  }
0x4d: {  	[sflag:s8] =	ssyncset.done $0x0  }
0x4e: {  	s31 =	simm.s32 $0x0;
	[sflag:s8] =	ssyncadd.s32 $0xFFFFF000  }
0x4f: {  	v2 =	vld [tilespmem:s31+$0x1A000];
	_ =	sdelay $0x2  }
0x50: {  	v3 =	vld [tilespmem:s31+$0x18000];
	_ =	sdelay $0x4  }
0x51: {  	[tilespmem:v2+s2+$0x0] =	vst.idx.add.f32.msk $0xffff, v3  }
0x52: {  	s30 =	simm.s32 $0x80;
	s29 =	simm.s32 $0x40;
	v3 =	vld [tilespmem:s31+$0x19000]  }
.LBB2_6:
0x53: {  	_ =	sdelay $0x2  }
0x54: {  	p0 =	sne.s32 s30, $0x3FC0  }
0x55: {  	s31 =	sshra.s32 s29, $0x2;
	s29 =	smov.u32 s30;
	s30 =	sadd.s32 $0x40, s30;
	[tilespmem:v2+s20+$0x0] =	vst.idx.add.f32.msk $0xffff, v3  }
0x56: {  	v2 =	vld [tilespmem:s31+$0x1A000];
	_ =	sdelay $0x2  }
0x57: {  	v3 =	vld [tilespmem:s31+$0x18000];
	_ =	sdelay $0x1  }
.Ltmp7:
0x58: {  	(pc) =	sbr.rel @p0 .LBB2_6-.Ltmp7, $3  }
0x59: {  	_ =	sdelay $0x1  }
0x5a: {  	[tilespmem:v2+s2+$0x0] =	vst.idx.add.f32.msk $0xffff, v3  }
0x5b: {  	v3 =	vld [tilespmem:s31+$0x19000]  }
0x5c: {  	_ =	sdelay $0x3  }
0x5d: {  	s29 =	sshra.s32 s29, $0x2;
	[tilespmem:v2+s20+$0x0] =	vst.idx.add.f32.msk $0xffff, v3  }
0x5e: {  	v2 =	vld [tilespmem:s29+$0x1A000];
	_ =	sdelay $0x2  }
0x5f: {  	v3 =	vld [tilespmem:s29+$0x18000];
	_ =	sdelay $0x4  }
0x60: {  	[tilespmem:v2+s2+$0x0] =	vst.idx.add.f32.msk $0xffff, v3  }
0x61: {  	p0 =	sne.s32 s28, s9;
	v3 =	vld [tilespmem:s29+$0x19000]  }
.Ltmp8:
0x62: {  	_ = 	snop;
	(pc) =	sbr.rel @p0 .LBB2_11-.Ltmp8, $2  }
0x63: {  	_ =	sdelay $0x2  }
0x64: {  	s29 =	simm.s32 $0x0;
	[tilespmem:v2+s20+$0x0] =	vst.idx.add.f32.msk $0xffff, v3  }
0x65: {  	s30 =	sand.u32 $0x780, s29  }
0x66: {  	s31 =	sand.u32 $0x70, s29;
	s30 =	sadd.s32 s30, s10  }
0x67: {  	s30 =	sadd.s32 s31, s30  }
0x68: {  	v2 =	vld [tilespmem:s30+$0x0];
	_ =	sdelay $0x4  }
0x69: {  	s29 =	simm.s32 $0x10  }
0x6a: {  	s31 =	sand.u32 $0x780, s29;
	s30 =	simm.s32 $0x20  }
.LBB2_9:
0x6b: {  	p0 =	sne.s32 s30, $0x7F0;
	s29 =	sand.u32 $0x70, s29;
	s31 =	sadd.s32 s31, s10  }
0x6c: {  	s31 =	sadd.s32 s29, s31;
	[tilespmem:v2+s21+$0x0] =	vst.idx.add.f32.msk $0xffff, v1;
	s29 =	smov.u32 s30  }
0x6d: {  	v2 =	vld [tilespmem:s31+$0x0];
	_ =	sdelay $0x1  }
.Ltmp9:
0x6e: {  	(pc) =	sbr.rel @p0 .LBB2_9-.Ltmp9, $2  }
0x6f: {  	_ =	sdelay $0x2  }
0x70: {  	s30 =	sadd.s32 $0x10, s30;
	s31 =	sand.u32 $0x780, s29  }
.Ltmp10:
0x71: {  	_ = 	snop;
	(pc) =	sbr.rel .LBB2_10-.Ltmp10, $1  }
0x72: {  	_ =	sdelay $0x3  }
.LBB2_14:
0x73: {  	_ =	sfence.sel $0x180000  }
0x74: {  	[bflag:$0x0] =	sbarrier.arrive $0xFFFF  }
0x75: {  	p0 =	sne.s32 s3, $0x0;
	_ =	strace $0x90000047  }
0x76: {  	s0 =	sadd.s32 @!p0 $0x100000, s0;
	[bflag:$0x2] =	sbarrier.arrive $0xFFFF  }
0x77: {  	[sflag:s0] =	ssyncadd.tile.s32 @!p0 $0x1;
	_ =	shalt  }
.Lfunc_end2:
_tile_overlayer_lowered:
.L_overlay_start_2:
0x78: {  	(tag) =	ssettag $0x2  }
0x79: {  	s0 =	rddreg [dreg:$0x0];
	s2 =	stileid.u32  }
0x7a: {  	s1 =	rddreg [dreg:$0x1];
	p0 =	sne.s32 s2, $0x0  }
0x7b: {  	s3 =	rddreg [dreg:$0x2];
	[bflag:$0x3] =	sbarrier.arrive $0xFFFF;
	s2 =	simm.s32 @!p0 $0x1C01  }
0x7c: {  	[timem:s3], [sflag:s2] =	dma.local @!p0 [hbm:s0], s1  }
0x7d: {  	s0 =	simm.s32 @!p0 $0x1  }
0x7e: {  	_ =	swait.ge @!p0 [sflag:s0], s1  }
0x7f: {  	s1 =	ssub.s32 @!p0 $0x0, s1;
	[sflag:s0] =	ssyncset.done @!p0 $0x0  }
0x80: {  	[sflag:s0] =	ssyncadd.s32 @!p0 s1  }
0x81: {  	[bflag:$0x3] =	sbarrier.arrive $0xFFFF  }
0x82: {  	_ =	shalt  }

</sc_bundles>
